<compile_context>
chip_gen: v7x
topology: tpu7x:2x2x1
jax: 0.10.2.dev20260603
libtpu: 0.0.44.dev20260713+nightly
codegen_flags: <defaults>
</compile_context>

<pallas_src>
import functools

import jax
import jax.numpy as jnp
from jax import lax
from jax.experimental import pallas as pl
from jax.experimental.pallas import tpu as pltpu
from jax.experimental.pallas import tpu_sc as plsc

NC = 2
NS = 16
NW = NC * NS


@functools.partial(jax.jit, static_argnames=("n_pad", "h", "e"))
def _sc_segsum(g, src, dst, zeros_tile, n_pad, h, e):
  epw = e // NW
  ch = 80
  nchunk = epw // ch
  rpt = n_pad // NS
  n = n_pad

  mesh = plsc.VectorSubcoreMesh(
      core_axis_name="c", subcore_axis_name="s", num_cores=NC,
      num_subcores=NS)

  assert nchunk % 2 == 1
  npair = nchunk // 2

  @functools.partial(
      pl.kernel,
      mesh=mesh,
      out_type=jax.ShapeDtypeStruct((NC, n, h), jnp.float32),
      scratch_types=[
          pltpu.VMEM((ch,), jnp.int32),
          pltpu.VMEM((ch,), jnp.int32),
          pltpu.VMEM((ch,), jnp.int32),
          pltpu.VMEM((ch,), jnp.int32),
          pltpu.VMEM((ch, h), jnp.float32),
          pltpu.VMEM((ch, h), jnp.float32),
          pltpu.VMEM_SHARED((n, h), jnp.float32),
          pltpu.SemaphoreType.DMA,
          pltpu.SemaphoreType.DMA,
      ],
  )
  def seg_kernel(g_hbm, src_hbm, dst_hbm, z_hbm, out_hbm,
                 srcb0, srcb1, dstb0, dstb1, rows0, rows1, acc, sem0, sem1):
    c = lax.axis_index("c")
    s = lax.axis_index("s")
    wid = s * NC + c
    r0 = s * rpt
    base = wid * epw

    pltpu.sync_copy(z_hbm, acc.at[pl.ds(r0, rpt)])
    plsc.subcore_barrier()

    pltpu.sync_copy(src_hbm.at[pl.ds(base, ch)], srcb0)
    pltpu.sync_copy(dst_hbm.at[pl.ds(base, ch)], dstb0)
    pltpu.async_copy(g_hbm.at[srcb0], rows0, sem0)

    def step(j, carry):
      o1 = base + (2 * j + 1) * ch
      o2 = base + (2 * j + 2) * ch
      pltpu.sync_copy(src_hbm.at[pl.ds(o1, ch)], srcb1)
      pltpu.sync_copy(dst_hbm.at[pl.ds(o1, ch)], dstb1)
      pltpu.async_copy(g_hbm.at[srcb1], rows1, sem1)
      pltpu.make_async_copy(g_hbm.at[srcb0], rows0, sem0).wait()
      pltpu.sync_copy(rows0, acc.at[dstb0], add=True)
      pltpu.sync_copy(src_hbm.at[pl.ds(o2, ch)], srcb0)
      pltpu.sync_copy(dst_hbm.at[pl.ds(o2, ch)], dstb0)
      pltpu.async_copy(g_hbm.at[srcb0], rows0, sem0)
      pltpu.make_async_copy(g_hbm.at[srcb1], rows1, sem1).wait()
      pltpu.sync_copy(rows1, acc.at[dstb1], add=True)
      return carry

    lax.fori_loop(0, npair, step, 0)
    pltpu.make_async_copy(g_hbm.at[srcb0], rows0, sem0).wait()
    pltpu.sync_copy(rows0, acc.at[dstb0], add=True)
    plsc.subcore_barrier()
    pltpu.sync_copy(acc.at[pl.ds(r0, rpt)], out_hbm.at[c, pl.ds(r0, rpt)])

  return seg_kernel(g, src, dst, zeros_tile)


@functools.partial(jax.jit, static_argnames=("n_pad", "e", "w"))
def _sc_counts(dst, ones_rows, zeros_tile, n_pad, e, w):
  epw = e // NW
  ch = 80
  nchunk = epw // ch
  rpt = n_pad // NS
  n = n_pad

  mesh = plsc.VectorSubcoreMesh(
      core_axis_name="c", subcore_axis_name="s", num_cores=NC,
      num_subcores=NS)

  @functools.partial(
      pl.kernel,
      mesh=mesh,
      out_type=jax.ShapeDtypeStruct((NC, n, w), jnp.float32),
      scratch_types=[
          pltpu.VMEM((ch,), jnp.int32),
          pltpu.VMEM((ch, w), jnp.float32),
          pltpu.VMEM_SHARED((n, w), jnp.float32),
          pltpu.SemaphoreType.DMA,
      ],
  )
  def cnt_kernel(dst_hbm, ones_hbm, z_hbm, out_hbm, dstb, ones_v, acc, sem):
    c = lax.axis_index("c")
    s = lax.axis_index("s")
    wid = s * NC + c
    r0 = s * rpt

    pltpu.sync_copy(z_hbm, acc.at[pl.ds(r0, rpt)])
    pltpu.sync_copy(ones_hbm, ones_v)
    plsc.subcore_barrier()

    def step(j, carry):
      off = wid * epw + j * ch
      pltpu.sync_copy(dst_hbm.at[pl.ds(off, ch)], dstb)
      pltpu.sync_copy(ones_v, acc.at[dstb], add=True)
      return carry

    lax.fori_loop(0, nchunk, step, 0)
    plsc.subcore_barrier()
    pltpu.sync_copy(acc.at[pl.ds(r0, rpt)], out_hbm.at[c, pl.ds(r0, rpt)])

  return cnt_kernel(dst, ones_rows, zeros_tile)


def _dot(a, b):
  return jnp.dot(a, b, preferred_element_type=jnp.float32)


def _tc_entry(x, w_in, b_in, wl0):
  n, _ = x.shape
  h_dim = w_in.shape[1]

  def body(x_ref, win_ref, bin_ref, wl0_ref, h_ref, g_ref):
    hh = jnp.maximum(_dot(x_ref[...], win_ref[...]) + bin_ref[...], 0.0)
    h_ref[...] = hh
    g_ref[...] = _dot(hh, wl0_ref[...])

  return pl.pallas_call(
      body,
      out_shape=(
          jax.ShapeDtypeStruct((n, h_dim), jnp.float32),
          jax.ShapeDtypeStruct((n, h_dim), jnp.float32),
      ),
  )(x, w_in, b_in, wl0)


def _tc_layer(h, part, cntp, wr, bl, g_ln, b_ln, wl_next, w_out_i, y_in):
  n, h_dim = h.shape
  c_dim = w_out_i.shape[1]
  have_next = wl_next is not None

  def body(*refs):
    if have_next:
      (h_ref, p_ref, cnt_ref, wr_ref, bl_ref, gln_ref, bln_ref, wn_ref,
       wo_ref, y_ref, ho_ref, go_ref, yo_ref) = refs
    else:
      (h_ref, p_ref, cnt_ref, wr_ref, bl_ref, gln_ref, bln_ref,
       wo_ref, y_ref, ho_ref, yo_ref) = refs
    cnt = cnt_ref[0, :n] + cnt_ref[1, :n]
    rc = 1.0 / jnp.maximum(cnt[:, 0:1], 1.0)
    hh = h_ref[...]
    p = p_ref[0, :n] + p_ref[1, :n]
    t = p * rc + bl_ref[...] + _dot(hh, wr_ref[...])
    mu = jnp.mean(t, axis=-1, keepdims=True)
    var = jnp.mean((t - mu) * (t - mu), axis=-1, keepdims=True)
    t = (t - mu) * lax.rsqrt(var + 1e-5) * gln_ref[...] + bln_ref[...]
    hn = jnp.maximum(t, 0.0) + hh
    ho_ref[...] = hn
    if have_next:
      go_ref[...] = _dot(hn, wn_ref[...])
    yo_ref[...] = y_ref[...] + _dot(hn, wo_ref[...])

  out_shape = [jax.ShapeDtypeStruct((n, h_dim), jnp.float32)]
  if have_next:
    out_shape.append(jax.ShapeDtypeStruct((n, h_dim), jnp.float32))
  out_shape.append(jax.ShapeDtypeStruct((n, c_dim), jnp.float32))

  args = [h, part, cntp, wr, bl, g_ln, b_ln]
  if have_next:
    args.append(wl_next)
  args += [w_out_i, y_in]

  return pl.pallas_call(body, out_shape=tuple(out_shape))(*args)


def kernel(x, edge_index, batch, W_in, b_in, conv_Wl, conv_bl, conv_Wr,
           ln_g, ln_b, W_out, b_out):
  n, _ = x.shape
  h_dim = W_in.shape[1]
  num_layers = conv_Wl.shape[0]
  c_dim = W_out.shape[1]
  e = edge_index.shape[1]

  src = edge_index[0]
  dst = edge_index[1]
  n_pad = -(-n // (8 * NS)) * (8 * NS)
  rpt = n_pad // NS
  zeros_h = jnp.zeros((rpt, h_dim), jnp.float32)
  ones_rows = jnp.ones((80, h_dim), jnp.float32)

  cntp = _sc_counts(dst, ones_rows, zeros_h, n_pad=n_pad, e=e, w=h_dim)
  cnt_small = cntp[:, :, :8]

  h, g = _tc_entry(x, W_in, b_in.reshape(1, h_dim), conv_Wl[0])

  y = jnp.broadcast_to(b_out.reshape(1, c_dim), (n, c_dim))
  for i in range(num_layers):
    part = _sc_segsum(g, src, dst, zeros_h, n_pad=n_pad, h=h_dim, e=e)
    wl_next = conv_Wl[i + 1] if i + 1 < num_layers else None
    outs = _tc_layer(
        h, part, cnt_small, conv_Wr[i], conv_bl[i].reshape(1, h_dim),
        ln_g[i].reshape(1, h_dim), ln_b[i].reshape(1, h_dim), wl_next,
        W_out[i * h_dim:(i + 1) * h_dim], y)
    if wl_next is not None:
      h, g, y = outs
    else:
      h, y = outs
  return y

# --- scband reference (transcript-rebuilt; emitter-appended) ---
"""Pipeline reference for scband-gccn-4492535791673 (READ-ONLY COPY).

The authoritative reference and input builder live on the scoring server;
editing this copy changes nothing except your own understanding.
"""

import jax, jax.numpy as jnp
import numpy as np

N = 10000
E = 320000
D = 128
H = 128
C = 40
L = 3

def setup_inputs(seed: int = 0):
    key = jax.random.key(seed)
    ks = jax.random.split(key, 16)
    s = 1.0 / np.sqrt(H)
    x = jax.random.normal(ks[0], (N, D), dtype=jnp.float32)
    edge_index = jax.random.randint(ks[1], (2, E), 0, N, dtype=jnp.int32)
    batch = jnp.zeros((N,), dtype=jnp.int32)
    W_in = jax.random.uniform(ks[2], (D, H), minval=-s, maxval=s, dtype=jnp.float32)
    b_in = jax.random.uniform(ks[3], (H,), minval=-s, maxval=s, dtype=jnp.float32)
    conv_Wl = jax.random.uniform(ks[4], (L, H, H), minval=-s, maxval=s, dtype=jnp.float32)
    conv_bl = jax.random.uniform(ks[5], (L, H), minval=-s, maxval=s, dtype=jnp.float32)
    conv_Wr = jax.random.uniform(ks[6], (L, H, H), minval=-s, maxval=s, dtype=jnp.float32)
    ln_g = jnp.ones((L, H), dtype=jnp.float32)
    ln_b = jnp.zeros((L, H), dtype=jnp.float32)
    W_out = jax.random.uniform(ks[7], (L * H, C), minval=-s, maxval=s, dtype=jnp.float32)
    b_out = jax.random.uniform(ks[8], (C,), minval=-s, maxval=s, dtype=jnp.float32)
    return {"x": x, "edge_index": edge_index, "batch": batch, "W_in": W_in, "b_in": b_in, "conv_Wl": conv_Wl, "conv_bl": conv_bl, "conv_Wr": conv_Wr, "ln_g": ln_g, "ln_b": ln_b, "W_out": W_out, "b_out": b_out}

def _layer_norm(h, g, b, eps=1e-5):
    mu = jnp.mean(h, axis=-1, keepdims=True)
    var = jnp.mean((h - mu) ** 2, axis=-1, keepdims=True)
    return (h - mu) / jnp.sqrt(var + eps) * g + b

def _sage_conv(h, src, dst, Wl, bl, Wr, n):
    msgs = jnp.take(h, src, axis=0)
    agg = jax.ops.segment_sum(msgs, dst, num_segments=n)
    cnt = jax.ops.segment_sum(jnp.ones((src.shape[0],), dtype=h.dtype), dst, num_segments=n)
    mean = agg / jnp.clip(cnt, 1.0, None)[:, None]
    return mean @ Wl + bl + h @ Wr

def reference(x, edge_index, batch, W_in, b_in, conv_Wl, conv_bl, conv_Wr, ln_g, ln_b, W_out, b_out):
    n = x.shape[0]
    src = edge_index[0]
    dst = edge_index[1]
    h = jax.nn.relu(x @ W_in + b_in)
    # dropout is identity in eval mode
    xs = []
    for i in range(conv_Wl.shape[0]):
        h_in = h
        h = _sage_conv(h, src, dst, conv_Wl[i], conv_bl[i], conv_Wr[i], n)
        h = _layer_norm(h, ln_g[i], ln_b[i])
        h = jax.nn.relu(h)
        h = h + h_in
        xs.append(h)
    h = jnp.concatenate(xs, axis=1)
    return h @ W_out + b_out

if __name__ == "__main__":
    import jax
    _d = setup_inputs()
    print(jax.jit(kernel)(*tuple(_d.values())))

</pallas_src>

<mosaic_0001>
#map = affine_map<(d0, d1) -> (0)>
#map1 = affine_map<(d0, d1) -> (0, 0)>
#map2 = affine_map<(d0, d1) -> (0, 0, 0)>
module attributes {stable_mosaic.version = 14 : i64} {
  func.func @cnt_kernel(%arg0: i32, %arg1: i32, %arg2: memref<320000xi32, #tpu.memory_space<hbm>>, %arg3: memref<80x128xf32, #tpu.memory_space<hbm>>, %arg4: memref<632x128xf32, #tpu.memory_space<hbm>>, %arg5: memref<2x10112x128xf32, #tpu.memory_space<hbm>>, %arg6: memref<80xi32, #tpu.memory_space<vmem>>, %arg7: memref<80x128xf32, #tpu.memory_space<vmem>>, %arg8: memref<10112x128xf32, #tpu.memory_space<vmem_shared>>, %arg9: memref<!tpu.dma_semaphore, #tpu.memory_space<semaphore_mem>>) attributes {dimension_semantics = [#tpu.dimension_semantics<core_parallel>, #tpu.dimension_semantics<subcore_parallel>], iteration_bounds = array<i64: 2, 16>, scalar_prefetch = 0 : i64, scratch_operands = 4 : i64, tpu.core_type = #tpu.core_type<sc_vector_subcore>, window_params = [{transform_indices = #map}, {transform_indices = #map1}, {transform_indices = #map1}, {transform_indices = #map2}]} {
    %mul3A = arith.constant 2 : i32
    %mul3A_0 = arith.muli %arg1, %mul3A : i32
    %add3A = arith.addi %mul3A_0, %arg0 : i32
    %mul3A_1 = arith.constant 632 : i32
    %mul3A_2 = arith.muli %arg1, %mul3A_1 : i32
    "tpu.region"() ({
      %run_scoped3A = tpu.sem_alloc : memref<!tpu.dma_semaphore, #tpu.memory_space<semaphore_mem>>
      %dma_start3A = arith.constant 0 : i32
      %dma_start3A_9 = tpu.memref_slice %arg8[%mul3A_2, %dma_start3A] : memref<10112x128xf32, #tpu.memory_space<vmem_shared>> -> memref<632x128xf32, #tpu.memory_space<vmem_shared>>
      tpu.enqueue_dma source(%arg4 : memref<632x128xf32, #tpu.memory_space<hbm>>) target(%dma_start3A_9 : memref<632x128xf32, #tpu.memory_space<vmem_shared>>) target_semaphore(%run_scoped3A : memref<!tpu.dma_semaphore, #tpu.memory_space<semaphore_mem>>)
      %dma_wait3A = arith.constant 0 : i32
      %dma_wait3A_10 = tpu.memref_slice %arg8[%mul3A_2, %dma_wait3A] : memref<10112x128xf32, #tpu.memory_space<vmem_shared>> -> memref<632x128xf32, #tpu.memory_space<vmem_shared>>
      tpu.wait_dma2 semaphore(%run_scoped3A : memref<!tpu.dma_semaphore, #tpu.memory_space<semaphore_mem>>) src(%arg4 : memref<632x128xf32, #tpu.memory_space<hbm>>) dst(%dma_wait3A_10 : memref<632x128xf32, #tpu.memory_space<vmem_shared>>)
      tpu.yield
    }) : () -> ()
    "tpu.region"() ({
      %run_scoped3A = tpu.sem_alloc : memref<!tpu.dma_semaphore, #tpu.memory_space<semaphore_mem>>
      tpu.enqueue_dma source(%arg3 : memref<80x128xf32, #tpu.memory_space<hbm>>) target(%arg7 : memref<80x128xf32, #tpu.memory_space<vmem>>) target_semaphore(%run_scoped3A : memref<!tpu.dma_semaphore, #tpu.memory_space<semaphore_mem>>)
      tpu.wait_dma2 semaphore(%run_scoped3A : memref<!tpu.dma_semaphore, #tpu.memory_space<semaphore_mem>>) src(%arg3 : memref<80x128xf32, #tpu.memory_space<hbm>>) dst(%arg7 : memref<80x128xf32, #tpu.memory_space<vmem>>)
      tpu.yield
    }) : () -> ()
    %barrier3A = arith.constant 0 : index
    tpu.barrier barrier_id(%barrier3A)
    %scan3A = arith.constant 0 : i32
    %scan3A_3 = arith.constant 0 : i32
    %scan3A_4 = arith.constant 125 : i32
    %scan3A_5 = arith.addi %scan3A_3, %scan3A_4 : i32
    %scan3A_6 = arith.constant 1 : i32
    scf.for %scan3A_9 = %scan3A_3 to %scan3A_5 step %scan3A_6  : i32 {
      %mul3A_10 = arith.constant 10000 : i32
      %mul3A_11 = arith.muli %add3A, %mul3A_10 : i32
      %mul3A_12 = arith.constant 80 : i32
      %mul3A_13 = arith.muli %scan3A_9, %mul3A_12 : i32
      %add3A_14 = arith.addi %mul3A_11, %mul3A_13 : i32
      "tpu.region"() ({
        %run_scoped3A = tpu.sem_alloc : memref<!tpu.dma_semaphore, #tpu.memory_space<semaphore_mem>>
        %dma_start3A = tpu.memref_slice %arg2[%add3A_14] : memref<320000xi32, #tpu.memory_space<hbm>> -> memref<80xi32, #tpu.memory_space<hbm>>
        %dma_start3A_15 = tpu.memref_slice %arg2[%add3A_14] : memref<320000xi32, #tpu.memory_space<hbm>> -> memref<80xi32, #tpu.memory_space<hbm>>
        tpu.enqueue_dma source(%dma_start3A_15 : memref<80xi32, #tpu.memory_space<hbm>>) target(%arg6 : memref<80xi32, #tpu.memory_space<vmem>>) target_semaphore(%run_scoped3A : memref<!tpu.dma_semaphore, #tpu.memory_space<semaphore_mem>>)
        %dma_wait3A = tpu.memref_slice %arg2[%add3A_14] : memref<320000xi32, #tpu.memory_space<hbm>> -> memref<80xi32, #tpu.memory_space<hbm>>
        %dma_wait3A_16 = tpu.memref_slice %arg2[%add3A_14] : memref<320000xi32, #tpu.memory_space<hbm>> -> memref<80xi32, #tpu.memory_space<hbm>>
        tpu.wait_dma2 semaphore(%run_scoped3A : memref<!tpu.dma_semaphore, #tpu.memory_space<semaphore_mem>>) src(%dma_wait3A_16 : memref<80xi32, #tpu.memory_space<hbm>>) dst(%arg6 : memref<80xi32, #tpu.memory_space<vmem>>)
        tpu.yield
      }) : () -> ()
      "tpu.region"() ({
        %run_scoped3A = tpu.sem_alloc : memref<!tpu.dma_semaphore, #tpu.memory_space<semaphore_mem>>
        %dma_start3A = arith.constant 0 : i32
        %dma_start3A_15 = arith.constant 0 : i32
        %dma_start3A_16 = tpu.memref_slice %arg8[%dma_start3A, %dma_start3A_15] : memref<10112x128xf32, #tpu.memory_space<vmem_shared>> -> memref<10112x128xf32, #tpu.memory_space<vmem_shared>>
        tpu.enqueue_indirect_dma source(%arg7 : memref<80x128xf32, #tpu.memory_space<vmem>>) target(%dma_start3A_16 : memref<10112x128xf32, #tpu.memory_space<vmem_shared>>) offsets(%arg6 : memref<80xi32, #tpu.memory_space<vmem>>) semaphore(%run_scoped3A : memref<!tpu.dma_semaphore, #tpu.memory_space<semaphore_mem>>) {add = true}
        %dma_wait3A = arith.constant 0 : i32
        %dma_wait3A_17 = arith.constant 0 : i32
        %dma_wait3A_18 = tpu.memref_slice %arg8[%dma_wait3A, %dma_wait3A_17] : memref<10112x128xf32, #tpu.memory_space<vmem_shared>> -> memref<10112x128xf32, #tpu.memory_space<vmem_shared>>
        tpu.wait_indirect_dma semaphore(%run_scoped3A : memref<!tpu.dma_semaphore, #tpu.memory_space<semaphore_mem>>) src(%arg7 : memref<80x128xf32, #tpu.memory_space<vmem>>) dst(%dma_wait3A_18 : memref<10112x128xf32, #tpu.memory_space<vmem_shared>>)
        tpu.yield
      }) : () -> ()
    }
    %scan3A_7 = arith.constant 125 : i32
    %barrier3A_8 = arith.constant 0 : index
    tpu.barrier barrier_id(%barrier3A_8)
    "tpu.region"() ({
      %run_scoped3A = tpu.sem_alloc : memref<!tpu.dma_semaphore, #tpu.memory_space<semaphore_mem>>
      %dma_start3A = arith.constant 0 : i32
      %dma_start3A_9 = tpu.memref_slice %arg5[%arg0, %mul3A_2, %dma_start3A] : memref<2x10112x128xf32, #tpu.memory_space<hbm>> -> memref<1x632x128xf32, #tpu.memory_space<hbm>>
      %dma_start3A_10 = tpu.memref_squeeze %dma_start3A_9 : memref<1x632x128xf32, #tpu.memory_space<hbm>> -> memref<632x128xf32, #tpu.memory_space<hbm>>
      %dma_start3A_11 = arith.constant 0 : i32
      %dma_start3A_12 = tpu.memref_slice %arg8[%mul3A_2, %dma_start3A_11] : memref<10112x128xf32, #tpu.memory_space<vmem_shared>> -> memref<632x128xf32, #tpu.memory_space<vmem_shared>>
      tpu.enqueue_dma source(%dma_start3A_12 : memref<632x128xf32, #tpu.memory_space<vmem_shared>>) target(%dma_start3A_10 : memref<632x128xf32, #tpu.memory_space<hbm>>) target_semaphore(%run_scoped3A : memref<!tpu.dma_semaphore, #tpu.memory_space<semaphore_mem>>)
      %dma_wait3A = arith.constant 0 : i32
      %dma_wait3A_13 = tpu.memref_slice %arg5[%arg0, %mul3A_2, %dma_wait3A] : memref<2x10112x128xf32, #tpu.memory_space<hbm>> -> memref<1x632x128xf32, #tpu.memory_space<hbm>>
      %dma_wait3A_14 = tpu.memref_squeeze %dma_wait3A_13 : memref<1x632x128xf32, #tpu.memory_space<hbm>> -> memref<632x128xf32, #tpu.memory_space<hbm>>
      %dma_wait3A_15 = arith.constant 0 : i32
      %dma_wait3A_16 = tpu.memref_slice %arg8[%mul3A_2, %dma_wait3A_15] : memref<10112x128xf32, #tpu.memory_space<vmem_shared>> -> memref<632x128xf32, #tpu.memory_space<vmem_shared>>
      tpu.wait_dma2 semaphore(%run_scoped3A : memref<!tpu.dma_semaphore, #tpu.memory_space<semaphore_mem>>) src(%dma_wait3A_16 : memref<632x128xf32, #tpu.memory_space<vmem_shared>>) dst(%dma_wait3A_14 : memref<632x128xf32, #tpu.memory_space<hbm>>)
      tpu.yield
    }) : () -> ()
    return
  }
}

</mosaic_0001>

<sc_bundles>
// kernel: _sc_counts.3.cloned.1.call-start
scs
__scs_entry_jumppad:
0x0: {  	(pc) =	sbr.rel $0x88, $3  }
0x1: {  	(tag) =	ssettag $0x0;
	lr =	simm.s32 $0x1  }
0x2: {  	[smem:$0x3F9E] =	sst lr;
	_ =	strace $0xD0000000  }
0x3: {  	_ = 	snop  }
0x4: {  	_ = 	snop  }
0x5: {  	_ = 	snop  }
0x6: {  	_ = 	snop  }
0x7: {  	_ = 	snop  }
__scs_overlays_trampoline_lowered:
0x8: {  	[smem:$0x3FAD] =	sst s0  }
0x9: {  	[smem:$0x3FAE] =	sst s1  }
0xa: {  	[smem:$0x3FAF] =	sst s2  }
0xb: {  	[smem:$0x3FB0] =	sst s3  }
0xc: {  	[smem:$0x3FB1] =	sst s4  }
0xd: {  	[smem:$0x3FB2] =	sst s5  }
0xe: {  	[smem:$0x3FB3] =	sst s6  }
0xf: {  	[smem:$0x3FB4] =	sst s7  }
0x10: {  	[smem:$0x3FB5] =	sst s8  }
0x11: {  	[smem:$0x3FB6] =	sst s9;
	s0 =	simm.s32 @!p0 $0x0  }
0x12: {  	s1 =	sld [smem:$0x3F9C];
	s0 =	simm.s32 @p0 $0x1  }
0x13: {  	[smem:$0x3FB7] =	sst s0;
	s0 =	simm.s32 @!p1 $0x0  }
0x14: {  	s2 =	sld [smem:$0x3F9B];
	s0 =	simm.s32 @p1 $0x1  }
0x15: {  	[smem:$0x3FB8] =	sst s0;
	s0 =	simm.s32 @!p2 $0x0  }
0x16: {  	s3 =	sld [smem:$0x3FDB];
	s0 =	simm.s32 @p2 $0x1  }
0x17: {  	s4 =	simm.s32 $0x1BF5;
	[smem:$0x3FBA] =	sst s0  }
0x18: {  	s0 =	sld [smem:$0x3F9D];
	_ =	swait.ge [sflag:s4], $0x0  }
0x19: {  	s7 =	sld [smem:$0x3F9E]  }
0x1a: {  	s8 =	sadd.s32 $0xFFFFE003, lr  }
0x1b: {  	s9 =	sadd.s32 $0xFFFFFEF7, lr;
	s5 =	simm.s32 $0xFFFFFFFF;
	p2 =	slt.u32 s8, $0xFFFFF086  }
0x1c: {  	p1 =	slt.u32 s9, $0xF7A;
	s5 =	simm.s32 @!p2 $0x0  }
0x1d: {  	s5 =	simm.s32 @p1 $0x1;
	p0 =	seq.s32 s7, s2  }
0x1e: {  	s7 =	smul.u32 @!p0 $0xF7A, s2;
	p2 =	seq.s32 @!p0 s5, $0x0  }
0x1f: {  	s9 =	smul.u32 $0xF7A, s1;
	s8 =	simm.s32 @!p0 $0x1BF5;
	p2 =	por !p2, p0  }
0x20: {  	[sflag:s8] =	ssyncset.s32 @!p0 $0xFFFFF086;
	s6 =	sadd.s32 @!p0 s3, s7;
	s7 =	simm.s32 @!p0 $0x108  }
0x21: {  	s3 =	sadd.s32 s3, s9;
	s6 =	sadd.s32 @!p0 $0x88, s6;
	s7 =	simm.s32 @p2 $0x1082  }
0x22: {  	[simem:s7], [sflag:s8] =	dma.local @!p0 [hbm:s6], $0xF7A  }
0x23: {  	s9 =	sor.u32 $0xD0000000, s2;
	s6 =	simm.s32 $0x108;
	_ =	swait.ge @!p0 [sflag:s8], $0x0  }
0x24: {  	s3 =	sadd.s32 $0x88, s3;
	s6 =	simm.s32 @!p1 $0x1082;
	[sflag:s4] =	ssyncset.s32 $0xFFFFF086  }
0x25: {  	[simem:s6], [sflag:s4] =	dma.local [hbm:s3], $0xF7A  }
0x26: {  	[smem:$0x3F9E] =	sst s1;
	(tag) =	ssettag s2;
	_ =	strace s9  }
0x27: {  	s1 =	sld [smem:$0x3FAE]  }
0x28: {  	s2 =	sld [smem:$0x3FAF]  }
0x29: {  	s4 =	sld [smem:$0x3FB1]  }
0x2a: {  	p0 =	seq.s32 s5, $0x0;
	s5 =	sld [smem:$0x3FB2]  }
0x2b: {  	s6 =	sld [smem:$0x3FB3]  }
0x2c: {  	s7 =	sld [smem:$0x3FB4]  }
0x2d: {  	s3 =	simm.s32 $0x108;
	s8 =	sld [smem:$0x3FB5]  }
0x2e: {  	s3 =	simm.s32 @!p0 $0x1082;
	s9 =	sld [smem:$0x3FB6]  }
0x2f: {  	lr =	sadd.s32 s0, s3;
	s0 =	sld [smem:$0x3FAD]  }
0x30: {  	s3 =	sld [smem:$0x3FB0]  }
0x31: {  	[smem:$0x3FB9] =	sst s10  }
0x32: {  	s10 =	sld [smem:$0x3FB7];
	_ =	sdelay $0x3  }
0x33: {  	p0 =	seq.s32 s10, $0x1;
	s10 =	sld [smem:$0x3FB9];
	_ =	sdelay $0x3  }
0x34: {  	[smem:$0x3FB9] =	sst s10  }
0x35: {  	s10 =	sld [smem:$0x3FB8];
	_ =	sdelay $0x3  }
0x36: {  	p1 =	seq.s32 s10, $0x1;
	s10 =	sld [smem:$0x3FB9];
	_ =	sdelay $0x3  }
0x37: {  	[smem:$0x3FB9] =	sst s10  }
0x38: {  	s10 =	sld [smem:$0x3FBA]  }
0x39: {  	_ = 	snop;
	(pc) =	sbr.ind lr, $3  }
0x3a: {  	_ = 	snop  }
0x3b: {  	_ = 	snop  }
0x3c: {  	p2 =	seq.s32 s10, $0x1;
	s10 =	sld [smem:$0x3FB9]  }
0x3d: {  	_ =	shalt  }
0x3e: {  	_ =	shalt  }
0x3f: {  	_ =	shalt  }
0x40: {  	_ =	shalt  }
0x41: {  	_ =	shalt  }
0x42: {  	_ =	shalt  }
0x43: {  	_ =	shalt  }
0x44: {  	_ =	shalt  }
0x45: {  	_ =	shalt  }
0x46: {  	_ =	shalt  }
0x47: {  	_ =	shalt  }
0x48: {  	_ =	shalt  }
0x49: {  	_ =	shalt  }
0x4a: {  	_ =	shalt  }
0x4b: {  	_ =	shalt  }
0x4c: {  	_ =	shalt  }
0x4d: {  	_ =	shalt  }
0x4e: {  	_ =	shalt  }
0x4f: {  	_ =	shalt  }
0x50: {  	_ =	shalt  }
0x51: {  	_ =	shalt  }
0x52: {  	_ =	shalt  }
0x53: {  	_ =	shalt  }
0x54: {  	_ =	shalt  }
0x55: {  	_ =	shalt  }
0x56: {  	_ =	shalt  }
0x57: {  	_ =	shalt  }
0x58: {  	_ =	shalt  }
0x59: {  	_ =	shalt  }
0x5a: {  	_ =	shalt  }
0x5b: {  	_ =	shalt  }
0x5c: {  	_ =	shalt  }
0x5d: {  	_ =	shalt  }
0x5e: {  	_ =	shalt  }
0x5f: {  	_ =	shalt  }
0x60: {  	_ =	shalt  }
0x61: {  	_ =	shalt  }
0x62: {  	_ =	shalt  }
0x63: {  	_ =	shalt  }
0x64: {  	_ =	shalt  }
0x65: {  	_ =	shalt  }
0x66: {  	_ =	shalt  }
0x67: {  	_ =	shalt  }
0x68: {  	_ =	shalt  }
0x69: {  	_ =	shalt  }
0x6a: {  	_ =	shalt  }
0x6b: {  	_ =	shalt  }
0x6c: {  	_ =	shalt  }
0x6d: {  	_ =	shalt  }
0x6e: {  	_ =	shalt  }
0x6f: {  	_ =	shalt  }
0x70: {  	_ =	shalt  }
0x71: {  	_ =	shalt  }
0x72: {  	_ =	shalt  }
0x73: {  	_ =	shalt  }
0x74: {  	_ =	shalt  }
0x75: {  	_ =	shalt  }
0x76: {  	_ =	shalt  }
0x77: {  	_ =	shalt  }
0x78: {  	_ =	shalt  }
0x79: {  	_ =	shalt  }
0x7a: {  	_ =	shalt  }
0x7b: {  	_ =	shalt  }
0x7c: {  	_ =	shalt  }
0x7d: {  	_ =	shalt  }
0x7e: {  	_ =	shalt  }
0x7f: {  	_ =	shalt  }
0x80: {  	_ =	shalt  }
0x81: {  	_ =	shalt  }
0x82: {  	_ =	shalt  }
0x83: {  	_ =	shalt  }
0x84: {  	_ =	shalt  }
0x85: {  	_ =	shalt  }
0x86: {  	_ =	shalt  }
0x87: {  	_ =	shalt  }
.Lfunc_end0:
.L_simem_size_0:
called_computation_lowered:
.L_overlay_start_0:
0x88: {  	s2 =	sld [smem:$0x3FD9]  }
0x89: {  	s3 =	sld [smem:$0x3FFE];
	_ =	sdelay $0x1  }
0x8a: {  	s1 =	srdreg.scid  }
0x8b: {  	s0 =	sand.u32 $0x1, s1  }
0x8c: {  	s18 =	sshll.u32 s0, $0xA;
	s2 =	sadd.s32 s3, s2  }
0x8d: {  	s2 =	sadd.s32 s2, s18  }
0x8e: {  	[smem:$0x3FC5] =	sst s2  }
0x8f: {  	_ = 	snop  }
0x90: {  	s2 =	sld [smem:$0x3FC9]  }
0x91: {  	s19 =	sld [smem:$0x3FC8]  }
0x92: {  	s4 =	sld [smem:$0x3FC7]  }
0x93: {  	s5 =	sld [smem:$0x3FD0];
	(tm) =	ssettm $0x1  }
0x94: {  	s6 =	sld [smem:$0x3FFB];
	_ =	sdelay $0x3  }
0x95: {  	_ =	strace s6  }
0x96: {  	s6 =	sld [smem:$0x3FFC];
	_ =	sdelay $0x3  }
0x97: {  	_ =	strace s6  }
0x98: {  	s6 =	sld [smem:$0x3FFD];
	_ =	sdelay $0x3  }
0x99: {  	_ =	strace s6  }
0x9a: {  	_ =	strace $0x8FFFFFFF  }
0x9b: {  	s20 =	sld [smem:$0x3FDB];
	_ =	sdelay $0x1  }
0x9c: {  	s7 =	simm.s32 $_scs_section_size  }
0x9d: {  	s8 =	simm.s32 $_size__tile_overlayer_lowered;
	s9 =	simm.s32 $_tile_overlayer_lowered  }
0x9e: {  	s23 =	simm.s32 $0x1BFF;
	s22 =	sshll.u32 s9, $0x1;
	s6 =	sadd.s32 s7, s20  }
0x9f: {  	s10 =	simm.s32 $0x0;
	s21 =	sshll.u32 s8, $0x1;
	s8 =	sadd.s32 s22, s6  }
0xa0: {  	[timem:s10], [sflag:s23] =	dma.local [hbm:s8], s21  }
0xa1: {  	_ =	swait.ge [sflag:s23], s21  }
0xa2: {  	s7 =	ssub.s32 $0x0, s21;
	[sflag:s23] =	ssyncset.done $0x0  }
0xa3: {  	[sflag:s23] =	ssyncadd.s32 s7;
	_ =	sdelay $0x1  }
0xa4: {  	s24 =	simm.s32 $0x1B8B  }
0xa5: {  	_ =	swait.ge [sflag:s24], $0x1  }
0xa6: {  	[sflag:s24] =	ssyncset.done $0x0  }
0xa7: {  	s25 =	simm.s32 $0x1B8E;
	[sflag:s24] =	ssyncadd.s32 $0xFFFFFFFF  }
0xa8: {  	s26 =	simm.s32 $execute0_lowered;
	[smem:$0x3FD2] =	sst s25  }
0xa9: {  	s7 =	sshll.u32 s26, $0x1;
	_ =	strace $0x80000046;
	[dreg:$0x1] =	wrdreg $0xFFFFFFFF  }
0xaa: {  	s28 =	simm.s32 $_size_execute0_lowered;
	s6 =	sadd.s32 s6, s7;
	[dreg:$0x0] =	wrdreg $0x0  }
0xab: {  	s7 =	sshll.u32 s28, $0x1;
	[dreg:$0x2] =	wrdreg s6  }
0xac: {  	[dreg:$0x3] =	wrdreg s7  }
0xad: {  	[dreg:$0x4] =	wrdreg $0xC0  }
0xae: {  	_ =	task [dreg:s10], $0x5FFFF  }
0xaf: {  	[dreg:$0x1] =	wrdreg $0xFFFFFFFF  }
0xb0: {  	[dreg:$0x0] =	wrdreg $0x60  }
0xb1: {  	[dreg:$0x2] =	wrdreg s2  }
0xb2: {  	[dreg:$0x3] =	wrdreg s19  }
0xb3: {  	[dreg:$0x4] =	wrdreg s4  }
0xb4: {  	[dreg:$0x5] =	wrdreg s5  }
0xb5: {  	[dreg:$0x6] =	wrdreg $0x28800  }
0xb6: {  	[dreg:$0x7] =	wrdreg $0x9  }
0xb7: {  	_ =	task.clear_ibuf [dreg:s10], $0x8FFFF;
	_ =	strace $0x90000046  }
0xb8: {  	s29 =	simm.s32 $0x9;
	_ =	strace $0x80000048  }
0xb9: {  	_ =	swait.ge [sflag:s29], $0x1  }
0xba: {  	[sflag:s29] =	ssyncadd.s32 $0xFFFFFFFF  }
0xbb: {  	_ =	strace $0x90000048  }
0xbc: {  	_ =	sfence  }
0xbd: {  	s30 =	sld [smem:$0x0];
	_ =	sdelay $0x2  }
0xbe: {  	s31 =	sshll.u32 s1, $0xD;
	s1 =	sshrl.u32 s1, $0x2  }
0xbf: {  	s3 =	sand.u32 $0x4000, s31;
	s1 =	sadd.s32 s1, s30  }
0xc0: {  	s0 =	sor.u32 s3, s0;
	s1 =	sshll.u32 s1, $0x11  }
0xc1: {  	s0 =	sor.u32 s1, s0  }
0xc2: {  	s0 =	sadd.s32 $0x8F2B, s0  }
0xc3: {  	[sflag:s0] =	ssyncadd.remote.s32 $0x1  }
0xc4: {  	_ =	sfence.sel $0xFFFF  }
0xc5: {  	[dreg:$0x0] =	wrdreg $0xFFFFFFFF;
	(pc) =	sbr.abs _section_cstart, $3  }
0xc6: {  	[dreg:$0x1] =	wrdreg $0xFFFFFFFF  }
0xc7: {  	_ =	task.clear_ibuf [dreg:s10], $0x2FFFF;
	_ =	strace $0x9FFFFFFF  }
0xc8: {  	(tm) =	ssettm $0x7FFFFFFF  }
0xc9: {  	_ =	shalt  }
tec
execute0_lowered:
.L_overlay_start_1:
0x0: {  	(tag) =	ssettag $0x1  }
0x1: {  	s9 =	rddreg [dreg:$0x0]  }
0x2: {  	s1 =	rddreg [dreg:$0x1]  }
0x3: {  	s2 =	rddreg [dreg:$0x2]  }
0x4: {  	s7 =	rddreg [dreg:$0x3]  }
0x5: {  	s3 =	srdreg.scid;
	s0 =	stileid.u32  }
0x6: {  	s4 =	rddreg [dreg:$0x4];
	s5 =	simm.s32 $0x0;
	s8 =	smul.u32 $0x4F000, s0  }
0x7: {  	s6 =	sand.u32 $0x1, s3;
	s3 =	rddreg [dreg:$0x5];
	s12 =	smul.u32 $0x13C00, s0  }
0x8: {  	[smem:$0x7FF] =	sst s5;
	s14 =	smul.u32 $0x4E20, s0;
	s29 =	sshll.u32 s0, $0x6  }
0x9: {  	s10 =	smul.u32 $0x13C000, s6;
	s11 =	ssub.s32 $0x2, s6;
	_ =	strace $0x80000047  }
0xa: {  	s28 =	smul.u32 $0x2710, s6;
	s13 =	sshrl.u32 s11, $0x1;
	s8 =	sshrl.u32 s8, $0x2  }
0xb: {  	s6 =	sor.u32 $0x1C01, s29;
	s11 =	ssub.s32 s11, s13;
	s15 =	sadd.s32 s8, s4  }
0xc: {  	s30 =	sadd.s32 s12, s10;
	s31 =	sadd.s32 s28, s14;
	s12 =	simm.s32 $0x80  }
0xd: {  	s13 =	simm.s32 $0x50;
	s14 =	simm.s32 $0x0;
	s8 =	sshrl.u32 s30, $0x3  }
0xe: {  	s10 =	sshrl.u32 s31, $0x3;
	s7 =	sadd.s32 s7, s8;
	s8 =	smax.u32 s11, $0x1  }
0xf: {  	s9 =	sadd.s32 s10, s9;
	s10 =	sshrl.u32 s15, $0x3;
	s11 =	simm.s32 $0x1  }
.LBB2_1:
0x10: {  	[spmem:s10], [sflag:s6] =	dma.local [hbm:s2], $0x2780  }
0x11: {  	_ =	swait.ge [sflag:s11], $0x2780  }
0x12: {  	[sflag:s11] =	ssyncset.done $0x0  }
0x13: {  	[sflag:s11] =	ssyncadd.s32 $0xFFFFD880  }
0x14: {  	[tilespmem:s12], [sflag:$0x1] =	stream.linear.gather [hbm4b:s1+s5], $0x2800, $0x38;
	[tilespmem:$0x16480] =	vst v63  }
0x15: {  	_ =	swait.ge [sflag:s11], $0x2800  }
0x16: {  	[sflag:s11] =	ssyncset.done $0x0  }
0x17: {  	[sflag:s11] =	ssyncadd.s32 $0xFFFFD800  }
0x18: {  	s15 =	sadd.s32 $0x0, s9;
	[bflag:$0x0] =	sbarrier.arrive $0xFFFF  }
0x19: {  	[tilespmem:s5], [sflag:$0x1] =	stream.linear.gather [hbm4b:s15+s5], $0x50, $0x38;
	[tilespmem:$0x16480] =	vst v63  }
0x1a: {  	_ =	swait.ge [sflag:s11], $0x50  }
0x1b: {  	[sflag:s11] =	ssyncset.done $0x0  }
0x1c: {  	[sflag:s11] =	ssyncadd.s32 $0xFFFFFFB0  }
0x1d: {  	[spmem:s4] =	stream.indirect.scatter.add.f32 [tilespmem:s12], [sflag:$0x1], $0x80, s5, s13, $0xb8;
	[tilespmem:$0x16480] =	vst v63  }
0x1e: {  	_ =	swait.ge [sflag:s11], $0x2800  }
0x1f: {  	s16 =	simm.s32 $0x14;
	s15 =	simm.s32 $0xA;
	[sflag:s11] =	ssyncset.done $0x0  }
.LBB2_2:
0x20: {  	s17 =	sadd.s32 s15, s9  }
0x21: {  	[sflag:s11] =	ssyncadd.s32 $0xFFFFD800;
	s15 =	smov.u32 s16;
	s18 =	sadd.s32 $0xA, s16  }
0x22: {  	[tilespmem:s5], [sflag:$0x1] =	stream.linear.gather [hbm4b:s17+s5], $0x50, $0x38;
	[tilespmem:$0x16480] =	vst v63  }
0x23: {  	p0 =	sne.s32 s16, $0x4D8;
	_ =	swait.ge [sflag:s11], $0x50  }
.Ltmp0:
0x24: {  	[sflag:s11] =	ssyncset.done $0x0;
	(pc) =	sbr.rel @p0 .LBB2_2-.Ltmp0, $4  }
0x25: {  	[sflag:s11] =	ssyncadd.s32 $0xFFFFFFB0  }
0x26: {  	[spmem:s4] =	stream.indirect.scatter.add.f32 [tilespmem:s12], [sflag:$0x1], $0x80, s5, s13, $0xb8;
	[tilespmem:$0x16480] =	vst v63  }
0x27: {  	_ =	swait.ge [sflag:s11], $0x2800  }
0x28: {  	s16 =	smov.u32 s18;
	[sflag:s11] =	ssyncset.done $0x0  }
0x29: {  	s15 =	sadd.s32 s15, s9;
	[sflag:s11] =	ssyncadd.s32 $0xFFFFD800  }
0x2a: {  	[tilespmem:s5], [sflag:$0x1] =	stream.linear.gather [hbm4b:s15+s5], $0x50, $0x38;
	[tilespmem:$0x16480] =	vst v63  }
0x2b: {  	_ =	swait.ge [sflag:s11], $0x50  }
0x2c: {  	[sflag:s11] =	ssyncset.done $0x0  }
0x2d: {  	[sflag:s11] =	ssyncadd.s32 $0xFFFFFFB0  }
0x2e: {  	[spmem:s4] =	stream.indirect.scatter.add.f32 [tilespmem:s12], [sflag:$0x1], $0x80, s5, s13, $0xb8;
	[tilespmem:$0x16480] =	vst v63  }
0x2f: {  	_ =	swait.ge [sflag:s11], $0x2800  }
0x30: {  	s14 =	sadd.s32 $0x1, s14;
	[sflag:s11] =	ssyncset.done $0x0  }
0x31: {  	p0 =	sne.s32 s14, s8;
	[sflag:s11] =	ssyncadd.s32 $0xFFFFD800  }
.Ltmp1:
0x32: {  	[bflag:$0x0] =	sbarrier.arrive $0xFFFF;
	(pc) =	sbr.rel @p0 .LBB2_1-.Ltmp1, $4  }
0x33: {  	[hbm:s7], [sflag:s6] =	dma.local [spmem:s10], $0x2780  }
0x34: {  	_ =	swait.ge [sflag:s11], $0x2780  }
0x35: {  	[sflag:s11] =	ssyncset.done $0x0  }
0x36: {  	[sflag:s11] =	ssyncadd.s32 $0xFFFFD880  }
0x37: {  	_ =	sfence.sel $0x180000  }
0x38: {  	[bflag:$0x0] =	sbarrier.arrive $0xFFFF  }
0x39: {  	p0 =	sne.s32 s0, $0x0;
	_ =	strace $0x90000047  }
0x3a: {  	s0 =	sadd.s32 @!p0 $0x100000, s3;
	[bflag:$0x2] =	sbarrier.arrive $0xFFFF  }
0x3b: {  	[sflag:s0] =	ssyncadd.tile.s32 @!p0 $0x1;
	_ =	shalt  }
.Lfunc_end2:
_tile_overlayer_lowered:
.L_overlay_start_2:
0x3c: {  	(tag) =	ssettag $0x2  }
0x3d: {  	s0 =	rddreg [dreg:$0x0];
	s2 =	stileid.u32  }
0x3e: {  	s1 =	rddreg [dreg:$0x1];
	p0 =	sne.s32 s2, $0x0  }
0x3f: {  	s3 =	rddreg [dreg:$0x2];
	[bflag:$0x3] =	sbarrier.arrive $0xFFFF;
	s2 =	simm.s32 @!p0 $0x1C01  }
0x40: {  	[timem:s3], [sflag:s2] =	dma.local @!p0 [hbm:s0], s1  }
0x41: {  	s0 =	simm.s32 @!p0 $0x1  }
0x42: {  	_ =	swait.ge @!p0 [sflag:s0], s1  }
0x43: {  	s1 =	ssub.s32 @!p0 $0x0, s1;
	[sflag:s0] =	ssyncset.done @!p0 $0x0  }
0x44: {  	[sflag:s0] =	ssyncadd.s32 @!p0 s1  }
0x45: {  	[bflag:$0x3] =	sbarrier.arrive $0xFFFF  }
0x46: {  	_ =	shalt  }

</sc_bundles>
